<compile_context>
chip_gen: v7x
topology: tpu7x:2x2x1
jax: 0.10.2.dev20260603
libtpu: 0.0.44.dev20260713+nightly
codegen_flags: <defaults>
</compile_context>

<pallas_src>
import functools

import jax
import jax.numpy as jnp
from jax import lax
from jax.experimental import pallas as pl
from jax.experimental.pallas import tpu as pltpu
from jax.experimental.pallas import tpu_sc as plsc

MEM = 16384
D = 3 * 32 * 32
BATCH = 1024
NW = 32
B_PER = BATCH // NW
LANES = 16


def _tc_prep_body(mem_in, lab_in, idxa, idxb, lvb, val_v, idx_s, mem_out,
                  lab_out, zeros_out, win_out, labscat_out, labbuf, win_s,
                  lab_sem, row_sem, win_sem):
    lab_in_copy = pltpu.make_async_copy(lab_in, labbuf, lab_sem)
    lab_in_copy.start()

    a = idxa[...]
    b = idxb[...]
    lv = lvb[...]
    kk = lax.broadcasted_iota(jnp.int32, (BATCH, BATCH), 1)
    code = jnp.where(a == b, kk * 256 + lv, -1)
    best = jnp.max(code, axis=1, keepdims=True)
    win_out[...] = best >> 8
    labscat_out[...] = best & 255
    zeros_out[...] = jnp.zeros_like(zeros_out)

    win_copy = pltpu.make_async_copy(win_out, win_s, win_sem)
    win_copy.start()
    win_copy.wait()

    lab_in_copy.wait()
    lab_out_copy = pltpu.make_async_copy(labbuf, lab_out, lab_sem)
    lab_out_copy.start()

    def batch(bi, carry):
        def issue(j, c):
            k = bi * 64 + j
            ik = idx_s[k]
            wk = win_s[k, 0]
            pltpu.make_async_copy(
                val_v.at[pl.ds(wk, 1)], mem_out.at[pl.ds(ik, 1)],
                row_sem).start()
            return c

        lax.fori_loop(0, 64, issue, 0)

        def drain(j, c):
            pltpu.make_async_copy(
                val_v.at[pl.ds(0, 1)], mem_out.at[pl.ds(0, 1)],
                row_sem).wait()
            return c

        lax.fori_loop(0, 64, drain, 0)
        return carry

    lax.fori_loop(0, BATCH // 64, batch, 0)
    lab_out_copy.wait()


_tc_prep = pl.pallas_call(
    _tc_prep_body,
    in_specs=[
        pl.BlockSpec(memory_space=pltpu.HBM),
        pl.BlockSpec(memory_space=pltpu.HBM),
        pl.BlockSpec((BATCH, 1), lambda: (0, 0)),
        pl.BlockSpec((1, BATCH), lambda: (0, 0)),
        pl.BlockSpec((1, BATCH), lambda: (0, 0)),
        pl.BlockSpec((BATCH, D), lambda: (0, 0)),
        pl.BlockSpec(memory_space=pltpu.SMEM),
    ],
    out_specs=[
        pl.BlockSpec(memory_space=pltpu.HBM),
        pl.BlockSpec(memory_space=pltpu.HBM),
        pl.BlockSpec((8, MEM // 8), lambda: (0, 0)),
        pl.BlockSpec((BATCH, 1), lambda: (0, 0)),
        pl.BlockSpec((BATCH, 1), lambda: (0, 0)),
    ],
    out_shape=[
        jax.ShapeDtypeStruct((MEM, D), jnp.float32),
        jax.ShapeDtypeStruct((MEM,), jnp.int32),
        jax.ShapeDtypeStruct((8, MEM // 8), jnp.int32),
        jax.ShapeDtypeStruct((BATCH, 1), jnp.int32),
        jax.ShapeDtypeStruct((BATCH, 1), jnp.int32),
    ],
    scratch_shapes=[
        pltpu.VMEM((MEM,), jnp.int32),
        pltpu.SMEM((BATCH, 1), jnp.int32),
        pltpu.SemaphoreType.DMA,
        pltpu.SemaphoreType.DMA,
        pltpu.SemaphoreType.DMA,
    ],
    input_output_aliases={0: 0},
)

_sc_mesh = plsc.VectorSubcoreMesh(core_axis_name="c", subcore_axis_name="s")

@functools.partial(
    pl.kernel,
    mesh=_sc_mesh,
    out_type=(),
    scratch_types=[
        pltpu.VMEM((B_PER,), jnp.int32),
        pltpu.VMEM((B_PER,), jnp.int32),
        pltpu.SemaphoreType.DMA,
    ],
)
def _sc_scatter(lab_ref, idx_hbm, labscat_hbm, idx_v, labs_v, sem):
    wid = lax.axis_index("s") * 2 + lax.axis_index("c")
    base = wid * B_PER
    pltpu.sync_copy(idx_hbm.at[pl.ds(base, B_PER)], idx_v)
    pltpu.sync_copy(labscat_hbm.at[pl.ds(base, B_PER)], labs_v)
    pltpu.async_copy(labs_v, lab_ref.at[idx_v], sem).wait()


def kernel(mem, label_mem, idx, val, label_val):
    mem3 = mem.reshape(MEM, D)
    val3 = val.reshape(BATCH, D)
    idx32 = idx.astype(jnp.int32)
    lv32 = label_val.astype(jnp.int32)

    new_mem0, new_lab0, zeros2, win, labscat = _tc_prep(
        mem3,
        label_mem.astype(jnp.int32),
        idx32.reshape(BATCH, 1),
        idx32.reshape(1, BATCH),
        lv32.reshape(1, BATCH),
        val3,
        idx32,
    )

    lab_ref = jax.new_ref(new_lab0)
    _sc_scatter(
        lab_ref,
        idx32,
        labscat.reshape(BATCH),
    )
    new_mem = new_mem0.reshape(MEM, 3, 32, 32)
    new_label = jax.freeze(lab_ref)
    return new_mem, new_label, zeros2.reshape(MEM)

# --- scband reference (transcript-rebuilt; emitter-appended) ---
"""Pipeline reference for scband-buffer-23665269801251 (READ-ONLY COPY).

The authoritative reference and input builder live on the scoring server;
editing this copy changes nothing except your own understanding.
"""

import jax, jax.numpy as jnp
import numpy as np

MEM_SIZE = 16384
IMG_SHAPE = (3, 32, 32)
BATCH = 1024
NUM_CLASSES = 100


def setup_inputs(seed: int = 0) -> dict:
    key = jax.random.key(seed)
    k_mem, k_lab, k_idx, k_val, k_lv = jax.random.split(key, 5)
    mem = jax.random.normal(k_mem, (MEM_SIZE,) + IMG_SHAPE, dtype=jnp.float32)
    label_mem = jax.random.randint(k_lab, (MEM_SIZE,), 0, NUM_CLASSES, dtype=jnp.int64)
    idx = jax.random.randint(k_idx, (BATCH,), 0, MEM_SIZE, dtype=jnp.int64)
    val = jax.random.normal(k_val, (BATCH,) + IMG_SHAPE, dtype=jnp.float32)
    label_val = jax.random.randint(k_lv, (BATCH,), 0, NUM_CLASSES, dtype=jnp.int64)
    return {"mem": mem, "label_mem": label_mem, "idx": idx, "val": val, "label_val": label_val}


def reference(mem, label_mem, idx, val, label_val):
    # Buffer.overwrite: scatter-overwrite incoming samples into buffer slots
    #   self.buffer_img[keys] = x[values]; self.buffer_label[keys] = y[values]
    new_mem = mem.at[idx].set(val)
    new_label = label_mem.at[idx].set(label_val)
    # counter resets for overwritten slots (buffer_replay_times / buffer_last_replay)
    replay_times = jnp.zeros((MEM_SIZE,), dtype=jnp.int64)
    new_replay_times = replay_times.at[idx].set(0)
    return new_mem, new_label, new_replay_times

if __name__ == "__main__":
    import jax
    _d = setup_inputs()
    print(jax.jit(kernel)(*tuple(_d.values())))

</pallas_src>

<mosaic_0001>
#map = affine_map<(d0, d1) -> (0)>
module attributes {stable_mosaic.version = 14 : i64} {
  func.func @new_body(%arg0: i32, %arg1: i32, %arg2: memref<16384xi32, #tpu.memory_space<hbm>>, %arg3: memref<1024xi32, #tpu.memory_space<hbm>>, %arg4: memref<1024xi32, #tpu.memory_space<hbm>>, %arg5: memref<16384xi32, #tpu.memory_space<hbm>>, %arg6: memref<32xi32, #tpu.memory_space<vmem>>, %arg7: memref<32xi32, #tpu.memory_space<vmem>>, %arg8: memref<!tpu.dma_semaphore, #tpu.memory_space<semaphore_mem>>) attributes {dimension_semantics = [#tpu.dimension_semantics<core_parallel>, #tpu.dimension_semantics<subcore_parallel>], iteration_bounds = array<i64: 2, 16>, scalar_prefetch = 0 : i64, scratch_operands = 3 : i64, tpu.core_type = #tpu.core_type<sc_vector_subcore>, window_params = [{transform_indices = #map}, {transform_indices = #map}, {transform_indices = #map}, {transform_indices = #map}]} {
    %mul3A = arith.constant 2 : i32
    %mul3A_0 = arith.muli %arg1, %mul3A : i32
    %add3A = arith.addi %mul3A_0, %arg0 : i32
    %mul3A_1 = arith.constant 32 : i32
    %mul3A_2 = arith.muli %add3A, %mul3A_1 : i32
    "tpu.region"() ({
      %run_scoped3A = tpu.sem_alloc : memref<!tpu.dma_semaphore, #tpu.memory_space<semaphore_mem>>
      %dma_start3A_5 = tpu.memref_slice %arg3[%mul3A_2] : memref<1024xi32, #tpu.memory_space<hbm>> -> memref<32xi32, #tpu.memory_space<hbm>>
      %dma_start3A_6 = tpu.memref_slice %arg3[%mul3A_2] : memref<1024xi32, #tpu.memory_space<hbm>> -> memref<32xi32, #tpu.memory_space<hbm>>
      tpu.enqueue_dma source(%dma_start3A_6 : memref<32xi32, #tpu.memory_space<hbm>>) target(%arg6 : memref<32xi32, #tpu.memory_space<vmem>>) target_semaphore(%run_scoped3A : memref<!tpu.dma_semaphore, #tpu.memory_space<semaphore_mem>>)
      %dma_wait3A_7 = tpu.memref_slice %arg3[%mul3A_2] : memref<1024xi32, #tpu.memory_space<hbm>> -> memref<32xi32, #tpu.memory_space<hbm>>
      %dma_wait3A_8 = tpu.memref_slice %arg3[%mul3A_2] : memref<1024xi32, #tpu.memory_space<hbm>> -> memref<32xi32, #tpu.memory_space<hbm>>
      tpu.wait_dma2 semaphore(%run_scoped3A : memref<!tpu.dma_semaphore, #tpu.memory_space<semaphore_mem>>) src(%dma_wait3A_8 : memref<32xi32, #tpu.memory_space<hbm>>) dst(%arg6 : memref<32xi32, #tpu.memory_space<vmem>>)
      tpu.yield
    }) : () -> ()
    "tpu.region"() ({
      %run_scoped3A = tpu.sem_alloc : memref<!tpu.dma_semaphore, #tpu.memory_space<semaphore_mem>>
      %dma_start3A_5 = tpu.memref_slice %arg4[%mul3A_2] : memref<1024xi32, #tpu.memory_space<hbm>> -> memref<32xi32, #tpu.memory_space<hbm>>
      %dma_start3A_6 = tpu.memref_slice %arg4[%mul3A_2] : memref<1024xi32, #tpu.memory_space<hbm>> -> memref<32xi32, #tpu.memory_space<hbm>>
      tpu.enqueue_dma source(%dma_start3A_6 : memref<32xi32, #tpu.memory_space<hbm>>) target(%arg7 : memref<32xi32, #tpu.memory_space<vmem>>) target_semaphore(%run_scoped3A : memref<!tpu.dma_semaphore, #tpu.memory_space<semaphore_mem>>)
      %dma_wait3A_7 = tpu.memref_slice %arg4[%mul3A_2] : memref<1024xi32, #tpu.memory_space<hbm>> -> memref<32xi32, #tpu.memory_space<hbm>>
      %dma_wait3A_8 = tpu.memref_slice %arg4[%mul3A_2] : memref<1024xi32, #tpu.memory_space<hbm>> -> memref<32xi32, #tpu.memory_space<hbm>>
      tpu.wait_dma2 semaphore(%run_scoped3A : memref<!tpu.dma_semaphore, #tpu.memory_space<semaphore_mem>>) src(%dma_wait3A_8 : memref<32xi32, #tpu.memory_space<hbm>>) dst(%arg7 : memref<32xi32, #tpu.memory_space<vmem>>)
      tpu.yield
    }) : () -> ()
    %dma_start3A = arith.constant 0 : i32
    %dma_start3A_3 = tpu.memref_slice %arg2[%dma_start3A] : memref<16384xi32, #tpu.memory_space<hbm>> -> memref<16384xi32, #tpu.memory_space<hbm>>
    tpu.enqueue_indirect_dma source(%arg7 : memref<32xi32, #tpu.memory_space<vmem>>) target(%dma_start3A_3 : memref<16384xi32, #tpu.memory_space<hbm>>) offsets(%arg6 : memref<32xi32, #tpu.memory_space<vmem>>) semaphore(%arg8 : memref<!tpu.dma_semaphore, #tpu.memory_space<semaphore_mem>>)
    %dma_wait3A = arith.constant 0 : i32
    %dma_wait3A_4 = tpu.memref_slice %arg2[%dma_wait3A] : memref<16384xi32, #tpu.memory_space<hbm>> -> memref<16384xi32, #tpu.memory_space<hbm>>
    tpu.wait_indirect_dma semaphore(%arg8 : memref<!tpu.dma_semaphore, #tpu.memory_space<semaphore_mem>>) src(%arg7 : memref<32xi32, #tpu.memory_space<vmem>>) dst(%dma_wait3A_4 : memref<16384xi32, #tpu.memory_space<hbm>>)
    return
  }
}

module attributes {stable_mosaic.version = 14 : i64} {
  func.func @_tc_prep_body(%arg0: memref<16384x3072xf32, #tpu.memory_space<hbm>>, %arg1: memref<16384xi32, #tpu.memory_space<hbm>>, %arg2: memref<1024x1xi32, #tpu.memory_space<vmem>>, %arg3: memref<1x1024xi32, #tpu.memory_space<vmem>>, %arg4: memref<1x1024xi32, #tpu.memory_space<vmem>>, %arg5: memref<1024x3072xf32, #tpu.memory_space<vmem>>, %arg6: memref<1024xi32, #tpu.memory_space<smem>>, %arg7: memref<16384x3072xf32, #tpu.memory_space<hbm>>, %arg8: memref<16384xi32, #tpu.memory_space<hbm>>, %arg9: memref<8x2048xi32, #tpu.memory_space<vmem>>, %arg10: memref<1024x1xi32, #tpu.memory_space<vmem>>, %arg11: memref<1024x1xi32, #tpu.memory_space<vmem>>, %arg12: memref<16384xi32, #tpu.memory_space<vmem>>, %arg13: memref<1024x1xi32, #tpu.memory_space<smem>>, %arg14: memref<!tpu.dma_semaphore, #tpu.memory_space<semaphore_mem>>, %arg15: memref<!tpu.dma_semaphore, #tpu.memory_space<semaphore_mem>>, %arg16: memref<!tpu.dma_semaphore, #tpu.memory_space<semaphore_mem>>) attributes {dimension_semantics = [], scalar_prefetch = 0 : i64, scratch_operands = 5 : i64, tpu.core_type = #tpu.core_type<tc>} {
    tpu.enqueue_dma source(%arg1 : memref<16384xi32, #tpu.memory_space<hbm>>) target(%arg12 : memref<16384xi32, #tpu.memory_space<vmem>>) target_semaphore(%arg14 : memref<!tpu.dma_semaphore, #tpu.memory_space<semaphore_mem>>)
    %get3A = arith.constant 0 : index
    %get3A_0 = arith.constant 0 : index
    %get3A_1 = vector.load %arg2[%get3A, %get3A_0] : memref<1024x1xi32, #tpu.memory_space<vmem>>, vector<1024x1xi32>
    %get3A_2 = arith.constant 0 : index
    %get3A_3 = arith.constant 0 : index
    %get3A_4 = vector.load %arg3[%get3A_2, %get3A_3] : memref<1x1024xi32, #tpu.memory_space<vmem>>, vector<1x1024xi32>
    %get3A_5 = arith.constant 0 : index
    %get3A_6 = arith.constant 0 : index
    %get3A_7 = vector.load %arg4[%get3A_5, %get3A_6] : memref<1x1024xi32, #tpu.memory_space<vmem>>, vector<1x1024xi32>
    %iota3A = tpu.iota {dimensions = array<i32: 1>} : vector<1024x1024xi32>
    %eq3A = vector.broadcast %get3A_1 : vector<1024x1xi32> to vector<1024x1024xi32>
    %eq3A_8 = vector.broadcast %get3A_4 : vector<1x1024xi32> to vector<1024x1024xi32>
    %eq3A_9 = arith.cmpi eq, %eq3A, %eq3A_8 : vector<1024x1024xi32>
    %mul3A = arith.constant 256 : i32
    %mul3A_10 = vector.broadcast %mul3A : i32 to vector<1024x1024xi32>
    %mul3A_11 = arith.muli %iota3A, %mul3A_10 : vector<1024x1024xi32>
    %add3A = vector.broadcast %get3A_7 : vector<1x1024xi32> to vector<1024x1024xi32>
    %add3A_12 = arith.addi %mul3A_11, %add3A : vector<1024x1024xi32>
    %jit3A = arith.constant -1 : i32
    %broadcast_in_dim3A = vector.broadcast %jit3A : i32 to vector<1024x1024xi32>
    %select_n3A = arith.select %eq3A_9, %add3A_12, %broadcast_in_dim3A : vector<1024x1024xi1>, vector<1024x1024xi32>
    %reduce_max3A = arith.constant dense<-2147483648> : vector<1024xi32>
    %reduce_max3A_13 = vector.multi_reduction <maxsi>, %select_n3A, %reduce_max3A [1] : vector<1024x1024xi32> to vector<1024xi32>
    %broadcast_in_dim3A_14 = vector.shape_cast %reduce_max3A_13 : vector<1024xi32> to vector<1024x1xi32>
    %shift_right_arithmetic3A = arith.constant 8 : i32
    %shift_right_arithmetic3A_15 = vector.broadcast %shift_right_arithmetic3A : i32 to vector<1024x1xi32>
    %shift_right_arithmetic3A_16 = arith.shrsi %broadcast_in_dim3A_14, %shift_right_arithmetic3A_15 : vector<1024x1xi32>
    %swap3A = arith.constant 0 : index
    %swap3A_17 = arith.constant 0 : index
    %swap3A_18 = vector.load %arg10[%swap3A, %swap3A_17] : memref<1024x1xi32, #tpu.memory_space<vmem>>, vector<1024x1xi32>
    tpu.vector_store %arg10[%swap3A, %swap3A_17], %shift_right_arithmetic3A_16 {strides = array<i32>} : memref<1024x1xi32, #tpu.memory_space<vmem>>, vector<1024x1xi32>,
    %and3A = arith.constant 255 : i32
    %and3A_19 = vector.broadcast %and3A : i32 to vector<1024x1xi32>
    %and3A_20 = arith.andi %broadcast_in_dim3A_14, %and3A_19 : vector<1024x1xi32>
    %swap3A_21 = arith.constant 0 : index
    %swap3A_22 = arith.constant 0 : index
    %swap3A_23 = vector.load %arg11[%swap3A_21, %swap3A_22] : memref<1024x1xi32, #tpu.memory_space<vmem>>, vector<1024x1xi32>
    tpu.vector_store %arg11[%swap3A_21, %swap3A_22], %and3A_20 {strides = array<i32>} : memref<1024x1xi32, #tpu.memory_space<vmem>>, vector<1024x1xi32>,
    %broadcast_in_dim3A_24 = arith.constant 0 : i32
    %broadcast_in_dim3A_25 = vector.broadcast %broadcast_in_dim3A_24 : i32 to vector<8x2048xi32>
    %swap3A_26 = arith.constant 0 : index
    %swap3A_27 = arith.constant 0 : index
    %swap3A_28 = vector.load %arg9[%swap3A_26, %swap3A_27] : memref<8x2048xi32, #tpu.memory_space<vmem>>, vector<8x2048xi32>
    tpu.vector_store %arg9[%swap3A_26, %swap3A_27], %broadcast_in_dim3A_25 {strides = array<i32>} : memref<8x2048xi32, #tpu.memory_space<vmem>>, vector<8x2048xi32>,
    tpu.enqueue_dma source(%arg10 : memref<1024x1xi32, #tpu.memory_space<vmem>>) target(%arg13 : memref<1024x1xi32, #tpu.memory_space<smem>>) target_semaphore(%arg16 : memref<!tpu.dma_semaphore, #tpu.memory_space<semaphore_mem>>)
    tpu.wait_dma2 semaphore(%arg16 : memref<!tpu.dma_semaphore, #tpu.memory_space<semaphore_mem>>) src(%arg10 : memref<1024x1xi32, #tpu.memory_space<vmem>>) dst(%arg13 : memref<1024x1xi32, #tpu.memory_space<smem>>)
    tpu.wait_dma2 semaphore(%arg14 : memref<!tpu.dma_semaphore, #tpu.memory_space<semaphore_mem>>) src(%arg1 : memref<16384xi32, #tpu.memory_space<hbm>>) dst(%arg12 : memref<16384xi32, #tpu.memory_space<vmem>>)
    tpu.enqueue_dma source(%arg12 : memref<16384xi32, #tpu.memory_space<vmem>>) target(%arg8 : memref<16384xi32, #tpu.memory_space<hbm>>) target_semaphore(%arg14 : memref<!tpu.dma_semaphore, #tpu.memory_space<semaphore_mem>>)
    %scan3A = arith.constant 0 : i32
    %scan3A_29 = arith.constant 16 : i32
    %scan3A_30 = arith.addi %scan3A, %scan3A_29 : i32
    %scan3A_31 = arith.constant 1 : i32
    scf.for %scan3A_33 = %scan3A to %scan3A_30 step %scan3A_31  : i32 {
      %scan3A_34 = arith.constant 0 : i32
      %scan3A_35 = arith.constant 64 : i32
      %scan3A_36 = arith.addi %scan3A_34, %scan3A_35 : i32
      %scan3A_37 = arith.constant 1 : i32
      scf.for %scan3A_43 = %scan3A_34 to %scan3A_36 step %scan3A_37  : i32 {
        %mul3A_44 = arith.constant 64 : i32
        %mul3A_45 = arith.muli %scan3A_33, %mul3A_44 : i32
        %add3A_46 = arith.addi %mul3A_45, %scan3A_43 : i32
        %get3A_47 = arith.index_cast %add3A_46 : i32 to index
        %get3A_48 = memref.load %arg6[%get3A_47] : memref<1024xi32, #tpu.memory_space<smem>>
        %get3A_49 = arith.index_cast %add3A_46 : i32 to index
        %get3A_50 = arith.constant 0 : index
        %get3A_51 = memref.load %arg13[%get3A_49, %get3A_50] : memref<1024x1xi32, #tpu.memory_space<smem>>
        %dma_start3A = arith.constant 0 : i32
        %dma_start3A_52 = tpu.memref_slice %arg7[%get3A_48, %dma_start3A] : memref<16384x3072xf32, #tpu.memory_space<hbm>> -> memref<1x3072xf32, #tpu.memory_space<hbm>>
        %dma_start3A_53 = arith.constant 0 : i32
        %dma_start3A_54 = tpu.memref_slice %arg5[%get3A_51, %dma_start3A_53] : memref<1024x3072xf32, #tpu.memory_space<vmem>> -> memref<1x3072xf32, #tpu.memory_space<vmem>>
        tpu.enqueue_dma source(%dma_start3A_54 : memref<1x3072xf32, #tpu.memory_space<vmem>>) target(%dma_start3A_52 : memref<1x3072xf32, #tpu.memory_space<hbm>>) target_semaphore(%arg15 : memref<!tpu.dma_semaphore, #tpu.memory_space<semaphore_mem>>)
      }
      %scan3A_38 = arith.constant 64 : i32
      %scan3A_39 = arith.constant 0 : i32
      %scan3A_40 = arith.constant 64 : i32
      %scan3A_41 = arith.addi %scan3A_39, %scan3A_40 : i32
      %scan3A_42 = arith.constant 1 : i32
      scf.for %scan3A_43 = %scan3A_39 to %scan3A_41 step %scan3A_42  : i32 {
        %dma_wait3A = arith.constant 0 : i32
        %dma_wait3A_44 = arith.constant 0 : i32
        %dma_wait3A_45 = tpu.memref_slice %arg7[%dma_wait3A, %dma_wait3A_44] : memref<16384x3072xf32, #tpu.memory_space<hbm>> -> memref<1x3072xf32, #tpu.memory_space<hbm>>
        %dma_wait3A_46 = arith.constant 0 : i32
        %dma_wait3A_47 = arith.constant 0 : i32
        %dma_wait3A_48 = tpu.memref_slice %arg5[%dma_wait3A_46, %dma_wait3A_47] : memref<1024x3072xf32, #tpu.memory_space<vmem>> -> memref<1x3072xf32, #tpu.memory_space<vmem>>
        tpu.wait_dma2 semaphore(%arg15 : memref<!tpu.dma_semaphore, #tpu.memory_space<semaphore_mem>>) src(%dma_wait3A_48 : memref<1x3072xf32, #tpu.memory_space<vmem>>) dst(%dma_wait3A_45 : memref<1x3072xf32, #tpu.memory_space<hbm>>)
      }
    }
    %scan3A_32 = arith.constant 16 : i32
    tpu.wait_dma2 semaphore(%arg14 : memref<!tpu.dma_semaphore, #tpu.memory_space<semaphore_mem>>) src(%arg12 : memref<16384xi32, #tpu.memory_space<vmem>>) dst(%arg8 : memref<16384xi32, #tpu.memory_space<hbm>>)
    return
  }
}

</mosaic_0001>

<sc_bundles>
// kernel: kernel.4.cloned.1.call-start
scs
__scs_entry_jumppad:
0x0: {  	(pc) =	sbr.rel $0x88, $3  }
0x1: {  	(tag) =	ssettag $0x0;
	lr =	simm.s32 $0x1  }
0x2: {  	[smem:$0x3F9C] =	sst lr;
	_ =	strace $0xD0000000  }
0x3: {  	_ = 	snop  }
0x4: {  	_ = 	snop  }
0x5: {  	_ = 	snop  }
0x6: {  	_ = 	snop  }
0x7: {  	_ = 	snop  }
__scs_overlays_trampoline_lowered:
0x8: {  	[smem:$0x3FAB] =	sst s0  }
0x9: {  	[smem:$0x3FAC] =	sst s1  }
0xa: {  	[smem:$0x3FAD] =	sst s2  }
0xb: {  	[smem:$0x3FAE] =	sst s3  }
0xc: {  	[smem:$0x3FAF] =	sst s4  }
0xd: {  	[smem:$0x3FB0] =	sst s5  }
0xe: {  	[smem:$0x3FB1] =	sst s6  }
0xf: {  	[smem:$0x3FB2] =	sst s7  }
0x10: {  	[smem:$0x3FB3] =	sst s8  }
0x11: {  	[smem:$0x3FB4] =	sst s9;
	s0 =	simm.s32 @!p0 $0x0  }
0x12: {  	s1 =	sld [smem:$0x3F9A];
	s0 =	simm.s32 @p0 $0x1  }
0x13: {  	[smem:$0x3FB5] =	sst s0;
	s0 =	simm.s32 @!p1 $0x0  }
0x14: {  	s2 =	sld [smem:$0x3F99];
	s0 =	simm.s32 @p1 $0x1  }
0x15: {  	[smem:$0x3FB6] =	sst s0;
	s0 =	simm.s32 @!p2 $0x0  }
0x16: {  	s3 =	sld [smem:$0x3FDB];
	s0 =	simm.s32 @p2 $0x1  }
0x17: {  	s4 =	simm.s32 $0x1BF5;
	[smem:$0x3FB8] =	sst s0  }
0x18: {  	s0 =	sld [smem:$0x3F9B];
	_ =	swait.ge [sflag:s4], $0x0  }
0x19: {  	s7 =	sld [smem:$0x3F9C]  }
0x1a: {  	s8 =	sadd.s32 $0xFFFFE003, lr  }
0x1b: {  	s9 =	sadd.s32 $0xFFFFFEF7, lr;
	s5 =	simm.s32 $0xFFFFFFFF;
	p2 =	slt.u32 s8, $0xFFFFF086  }
0x1c: {  	p1 =	slt.u32 s9, $0xF7A;
	s5 =	simm.s32 @!p2 $0x0  }
0x1d: {  	s5 =	simm.s32 @p1 $0x1;
	p0 =	seq.s32 s7, s2  }
0x1e: {  	s7 =	smul.u32 @!p0 $0xF7A, s2;
	p2 =	seq.s32 @!p0 s5, $0x0  }
0x1f: {  	s9 =	smul.u32 $0xF7A, s1;
	s8 =	simm.s32 @!p0 $0x1BF5;
	p2 =	por !p2, p0  }
0x20: {  	[sflag:s8] =	ssyncset.s32 @!p0 $0xFFFFF086;
	s6 =	sadd.s32 @!p0 s3, s7;
	s7 =	simm.s32 @!p0 $0x108  }
0x21: {  	s3 =	sadd.s32 s3, s9;
	s6 =	sadd.s32 @!p0 $0x88, s6;
	s7 =	simm.s32 @p2 $0x1082  }
0x22: {  	[simem:s7], [sflag:s8] =	dma.local @!p0 [hbm:s6], $0xF7A  }
0x23: {  	s9 =	sor.u32 $0xD0000000, s2;
	s6 =	simm.s32 $0x108;
	_ =	swait.ge @!p0 [sflag:s8], $0x0  }
0x24: {  	s3 =	sadd.s32 $0x88, s3;
	s6 =	simm.s32 @!p1 $0x1082;
	[sflag:s4] =	ssyncset.s32 $0xFFFFF086  }
0x25: {  	[simem:s6], [sflag:s4] =	dma.local [hbm:s3], $0xF7A  }
0x26: {  	[smem:$0x3F9C] =	sst s1;
	(tag) =	ssettag s2;
	_ =	strace s9  }
0x27: {  	s1 =	sld [smem:$0x3FAC]  }
0x28: {  	s2 =	sld [smem:$0x3FAD]  }
0x29: {  	s4 =	sld [smem:$0x3FAF]  }
0x2a: {  	p0 =	seq.s32 s5, $0x0;
	s5 =	sld [smem:$0x3FB0]  }
0x2b: {  	s6 =	sld [smem:$0x3FB1]  }
0x2c: {  	s7 =	sld [smem:$0x3FB2]  }
0x2d: {  	s3 =	simm.s32 $0x108;
	s8 =	sld [smem:$0x3FB3]  }
0x2e: {  	s3 =	simm.s32 @!p0 $0x1082;
	s9 =	sld [smem:$0x3FB4]  }
0x2f: {  	lr =	sadd.s32 s0, s3;
	s0 =	sld [smem:$0x3FAB]  }
0x30: {  	s3 =	sld [smem:$0x3FAE]  }
0x31: {  	[smem:$0x3FB7] =	sst s10  }
0x32: {  	s10 =	sld [smem:$0x3FB5];
	_ =	sdelay $0x3  }
0x33: {  	p0 =	seq.s32 s10, $0x1;
	s10 =	sld [smem:$0x3FB7];
	_ =	sdelay $0x3  }
0x34: {  	[smem:$0x3FB7] =	sst s10  }
0x35: {  	s10 =	sld [smem:$0x3FB6];
	_ =	sdelay $0x3  }
0x36: {  	p1 =	seq.s32 s10, $0x1;
	s10 =	sld [smem:$0x3FB7];
	_ =	sdelay $0x3  }
0x37: {  	[smem:$0x3FB7] =	sst s10  }
0x38: {  	s10 =	sld [smem:$0x3FB8]  }
0x39: {  	_ = 	snop;
	(pc) =	sbr.ind lr, $3  }
0x3a: {  	_ = 	snop  }
0x3b: {  	_ = 	snop  }
0x3c: {  	p2 =	seq.s32 s10, $0x1;
	s10 =	sld [smem:$0x3FB7]  }
0x3d: {  	_ =	shalt  }
0x3e: {  	_ =	shalt  }
0x3f: {  	_ =	shalt  }
0x40: {  	_ =	shalt  }
0x41: {  	_ =	shalt  }
0x42: {  	_ =	shalt  }
0x43: {  	_ =	shalt  }
0x44: {  	_ =	shalt  }
0x45: {  	_ =	shalt  }
0x46: {  	_ =	shalt  }
0x47: {  	_ =	shalt  }
0x48: {  	_ =	shalt  }
0x49: {  	_ =	shalt  }
0x4a: {  	_ =	shalt  }
0x4b: {  	_ =	shalt  }
0x4c: {  	_ =	shalt  }
0x4d: {  	_ =	shalt  }
0x4e: {  	_ =	shalt  }
0x4f: {  	_ =	shalt  }
0x50: {  	_ =	shalt  }
0x51: {  	_ =	shalt  }
0x52: {  	_ =	shalt  }
0x53: {  	_ =	shalt  }
0x54: {  	_ =	shalt  }
0x55: {  	_ =	shalt  }
0x56: {  	_ =	shalt  }
0x57: {  	_ =	shalt  }
0x58: {  	_ =	shalt  }
0x59: {  	_ =	shalt  }
0x5a: {  	_ =	shalt  }
0x5b: {  	_ =	shalt  }
0x5c: {  	_ =	shalt  }
0x5d: {  	_ =	shalt  }
0x5e: {  	_ =	shalt  }
0x5f: {  	_ =	shalt  }
0x60: {  	_ =	shalt  }
0x61: {  	_ =	shalt  }
0x62: {  	_ =	shalt  }
0x63: {  	_ =	shalt  }
0x64: {  	_ =	shalt  }
0x65: {  	_ =	shalt  }
0x66: {  	_ =	shalt  }
0x67: {  	_ =	shalt  }
0x68: {  	_ =	shalt  }
0x69: {  	_ =	shalt  }
0x6a: {  	_ =	shalt  }
0x6b: {  	_ =	shalt  }
0x6c: {  	_ =	shalt  }
0x6d: {  	_ =	shalt  }
0x6e: {  	_ =	shalt  }
0x6f: {  	_ =	shalt  }
0x70: {  	_ =	shalt  }
0x71: {  	_ =	shalt  }
0x72: {  	_ =	shalt  }
0x73: {  	_ =	shalt  }
0x74: {  	_ =	shalt  }
0x75: {  	_ =	shalt  }
0x76: {  	_ =	shalt  }
0x77: {  	_ =	shalt  }
0x78: {  	_ =	shalt  }
0x79: {  	_ =	shalt  }
0x7a: {  	_ =	shalt  }
0x7b: {  	_ =	shalt  }
0x7c: {  	_ =	shalt  }
0x7d: {  	_ =	shalt  }
0x7e: {  	_ =	shalt  }
0x7f: {  	_ =	shalt  }
0x80: {  	_ =	shalt  }
0x81: {  	_ =	shalt  }
0x82: {  	_ =	shalt  }
0x83: {  	_ =	shalt  }
0x84: {  	_ =	shalt  }
0x85: {  	_ =	shalt  }
0x86: {  	_ =	shalt  }
0x87: {  	_ =	shalt  }
.Lfunc_end0:
.L_simem_size_0:
called_computation_lowered:
.L_overlay_start_0:
0x88: {  	s2 =	sld [smem:$0x3FD9]  }
0x89: {  	s3 =	sld [smem:$0x3FFE];
	_ =	sdelay $0x1  }
0x8a: {  	s1 =	srdreg.scid  }
0x8b: {  	s0 =	sand.u32 $0x1, s1  }
0x8c: {  	s14 =	sshll.u32 s0, $0xA;
	s2 =	sadd.s32 s3, s2  }
0x8d: {  	s2 =	sadd.s32 s2, s14  }
0x8e: {  	[smem:$0x3FC3] =	sst s2  }
0x8f: {  	_ = 	snop  }
0x90: {  	s2 =	sld [smem:$0x3FD0];
	_ =	sdelay $0x2  }
0x91: {  	s4 =	simm.s32 $0xA;
	s5 =	simm.s32 $0x10;
	s15 =	sld [smem:$0x3FC7]  }
0x92: {  	[smem:s5], [sflag:s4] =	dma.local [hbm:s2], $0x1  }
0x93: {  	_ =	swait.eq [sflag:s4], $0x1  }
0x94: {  	[sflag:s4] =	ssyncset.done $0x0  }
0x95: {  	[sflag:s4] =	ssyncadd.s32 $0xFFFFFFFF  }
0x96: {  	s16 =	sld [smem:$0x11];
	(tm) =	ssettm $0x1  }
0x97: {  	s17 =	sld [smem:$0x3FFB];
	_ =	sdelay $0x3  }
0x98: {  	_ =	strace s17  }
0x99: {  	s4 =	sld [smem:$0x3FFC];
	_ =	sdelay $0x3  }
0x9a: {  	_ =	strace s4  }
0x9b: {  	s4 =	sld [smem:$0x3FFD];
	_ =	sdelay $0x3  }
0x9c: {  	_ =	strace s4  }
0x9d: {  	_ =	strace $0x8FFFFFFF  }
0x9e: {  	s18 =	sld [smem:$0x3FDB];
	_ =	sdelay $0x1  }
0x9f: {  	s19 =	simm.s32 $_scs_section_size  }
0xa0: {  	s6 =	simm.s32 $_size__tile_overlayer_lowered;
	s7 =	simm.s32 $_tile_overlayer_lowered  }
0xa1: {  	s22 =	simm.s32 $0x1BFF;
	s21 =	sshll.u32 s7, $0x1;
	s4 =	sadd.s32 s19, s18  }
0xa2: {  	s8 =	simm.s32 $0x0;
	s20 =	sshll.u32 s6, $0x1;
	s6 =	sadd.s32 s21, s4  }
0xa3: {  	[timem:s8], [sflag:s22] =	dma.local [hbm:s6], s20  }
0xa4: {  	_ =	swait.ge [sflag:s22], s20  }
0xa5: {  	s5 =	ssub.s32 $0x0, s20;
	[sflag:s22] =	ssyncset.done $0x0  }
0xa6: {  	[sflag:s22] =	ssyncadd.s32 s5;
	_ =	sdelay $0x1  }
0xa7: {  	s23 =	simm.s32 $0x1B8B  }
0xa8: {  	_ =	swait.ge [sflag:s23], $0x1  }
0xa9: {  	[sflag:s23] =	ssyncset.done $0x0  }
0xaa: {  	s25 =	simm.s32 $0x1B8E;
	s24 =	sld [smem:$0x3FFE];
	[sflag:s23] =	ssyncadd.s32 $0xFFFFFFFF  }
0xab: {  	s26 =	simm.s32 $execute0_lowered;
	[smem:$0x3FD2] =	sst s25  }
0xac: {  	s6 =	sshll.u32 s26, $0x1;
	_ =	strace $0x80000046;
	[dreg:$0x1] =	wrdreg $0xFFFFFFFF  }
0xad: {  	s28 =	simm.s32 $_size_execute0_lowered;
	s4 =	sadd.s32 s4, s6;
	[dreg:$0x0] =	wrdreg $0x0  }
0xae: {  	s6 =	sshll.u32 s28, $0x1;
	[dreg:$0x2] =	wrdreg s4  }
0xaf: {  	[dreg:$0x3] =	wrdreg s6  }
0xb0: {  	[dreg:$0x4] =	wrdreg $0xC0  }
0xb1: {  	_ =	task [dreg:s8], $0x5FFFF  }
0xb2: {  	[dreg:$0x1] =	wrdreg $0xFFFFFFFF  }
0xb3: {  	[dreg:$0x0] =	wrdreg $0x60  }
0xb4: {  	[dreg:$0x2] =	wrdreg s16  }
0xb5: {  	[dreg:$0x3] =	wrdreg s15  }
0xb6: {  	[dreg:$0x4] =	wrdreg s24  }
0xb7: {  	[dreg:$0x5] =	wrdreg $0x9  }
0xb8: {  	_ =	task.clear_ibuf [dreg:s8], $0x6FFFF;
	_ =	strace $0x90000046  }
0xb9: {  	s29 =	simm.s32 $0x9;
	_ =	strace $0x80000048  }
0xba: {  	_ =	swait.ge [sflag:s29], $0x1  }
0xbb: {  	[sflag:s29] =	ssyncadd.s32 $0xFFFFFFFF  }
0xbc: {  	_ =	strace $0x90000048  }
0xbd: {  	_ =	sfence  }
0xbe: {  	s30 =	sld [smem:$0x0];
	_ =	sdelay $0x2  }
0xbf: {  	s31 =	sshll.u32 s1, $0xD;
	s1 =	sshrl.u32 s1, $0x2  }
0xc0: {  	s3 =	sand.u32 $0x4000, s31;
	s1 =	sadd.s32 s1, s30  }
0xc1: {  	s0 =	sor.u32 s3, s0;
	s1 =	sshll.u32 s1, $0x11  }
0xc2: {  	s0 =	sor.u32 s1, s0  }
0xc3: {  	s0 =	sadd.s32 $0x8F2B, s0  }
0xc4: {  	[sflag:s0] =	ssyncadd.remote.s32 $0x1  }
0xc5: {  	_ =	sfence.sel $0xFFFF  }
0xc6: {  	[dreg:$0x0] =	wrdreg $0xFFFFFFFF;
	(pc) =	sbr.abs _section_cstart, $3  }
0xc7: {  	[dreg:$0x1] =	wrdreg $0xFFFFFFFF  }
0xc8: {  	_ =	task.clear_ibuf [dreg:s8], $0x2FFFF;
	_ =	strace $0x9FFFFFFF  }
0xc9: {  	(tm) =	ssettm $0x7FFFFFFF  }
tec
execute0_lowered:
.L_overlay_start_1:
0x0: {  	(tag) =	ssettag $0x1  }
0x1: {  	s2 =	rddreg [dreg:$0x0]  }
0x2: {  	s4 =	rddreg [dreg:$0x1]  }
0x3: {  	s6 =	rddreg [dreg:$0x2];
	s3 =	srdreg.scid  }
0x4: {  	s0 =	rddreg [dreg:$0x3];
	s1 =	stileid.u32;
	s7 =	sand.u32 $0x1, s3  }
0x5: {  	s3 =	simm.s32 $0x0;
	s5 =	sshll.u32 s1, $0x3;
	s8 =	sshll.u32 s7, $0x2  }
0x6: {  	[smem:$0x7FF] =	sst s3;
	s9 =	ssub.s32 $0x2, s7;
	s8 =	sor.u32 s8, s5  }
0x7: {  	_ =	strace $0x80000047;
	s5 =	simm.s32 $0x2;
	s4 =	sadd.s32 s4, s8  }
0x8: {  	[tilespmem:s3], [sflag:$0x2] =	stream.linear.gather [hbm4b:s4+s3], $0x20, $0x38;
	[tilespmem:$0x100] =	vst v63  }
0x9: {  	s7 =	simm.s32 $0x80;
	s31 =	sshrl.u32 s9, $0x1;
	_ =	swait.ge [sflag:s5], $0x20  }
0xa: {  	s6 =	sadd.s32 s8, s6;
	s8 =	ssub.s32 s9, s31;
	[sflag:s5] =	ssyncset.done $0x0  }
0xb: {  	s6 =	sadd.s32 $0x600800, s6;
	s10 =	smax.u32 s8, $0x1;
	[sflag:s5] =	ssyncadd.s32 $0xFFFFFFE0  }
0xc: {  	[tilespmem:s7], [sflag:$0x2] =	stream.linear.gather [hbm4b:s6+s3], $0x20, $0x38;
	[tilespmem:$0x100] =	vst v63  }
0xd: {  	p0 =	sne.s32 s10, $0x1;
	_ =	swait.ge [sflag:s5], $0x20  }
.Ltmp0:
0xe: {  	[sflag:s5] =	ssyncset.done $0x0;
	(pc) =	sbr.rel @!p0 .LBB2_2-.Ltmp0, $4  }
0xf: {  	s9 =	simm.s32 $0x20;
	s8 =	simm.s32 $0x1;
	[sflag:s5] =	ssyncadd.s32 $0xFFFFFFE0  }
0x10: {  	[hbm4b:s2+s9] =	stream.indirect.scatter [tilespmem:s7], [sflag:$0x1], $0x1, s3, s9, $0xb8;
	[tilespmem:$0x100] =	vst v63  }
0x11: {  	_ =	swait.ge [sflag:s8], $0x20  }
0x12: {  	s10 =	sadd.s32 $0xFFFFFFFF, s10;
	[sflag:s8] =	ssyncset.done $0x0  }
.LBB2_1:
0x13: {  	p0 =	sne.s32 s10, $0x1;
	s10 =	sadd.s32 $0xFFFFFFFF, s10;
	[sflag:s8] =	ssyncadd.s32 $0xFFFFFFE0  }
0x14: {  	[tilespmem:s3], [sflag:$0x2] =	stream.linear.gather [hbm4b:s4+s3], $0x20, $0x38;
	[tilespmem:$0x100] =	vst v63  }
0x15: {  	_ =	swait.ge [sflag:s5], $0x20  }
0x16: {  	[sflag:s5] =	ssyncset.done $0x0  }
0x17: {  	[sflag:s5] =	ssyncadd.s32 $0xFFFFFFE0  }
0x18: {  	[tilespmem:s7], [sflag:$0x2] =	stream.linear.gather [hbm4b:s6+s3], $0x20, $0x38;
	[tilespmem:$0x100] =	vst v63  }
0x19: {  	_ =	swait.ge [sflag:s5], $0x20  }
.Ltmp1:
0x1a: {  	[sflag:s5] =	ssyncset.done $0x0;
	(pc) =	sbr.rel @p0 .LBB2_1-.Ltmp1, $4  }
0x1b: {  	[sflag:s5] =	ssyncadd.s32 $0xFFFFFFE0  }
0x1c: {  	[hbm4b:s2+s9] =	stream.indirect.scatter [tilespmem:s7], [sflag:$0x1], $0x1, s3, s9, $0xb8;
	[tilespmem:$0x100] =	vst v63  }
0x1d: {  	_ =	swait.ge [sflag:s8], $0x20  }
0x1e: {  	[sflag:s8] =	ssyncset.done $0x0  }
.LBB2_2:
0x1f: {  	[sflag:s8] =	ssyncadd.s32 $0xFFFFFFE0  }
0x20: {  	_ =	sfence.sel $0x180000  }
0x21: {  	[bflag:$0x0] =	sbarrier.arrive $0xFFFF  }
0x22: {  	p0 =	sne.s32 s1, $0x0;
	_ =	strace $0x90000047  }
0x23: {  	s0 =	sadd.s32 @!p0 $0x100000, s0;
	[bflag:$0x2] =	sbarrier.arrive $0xFFFF  }
0x24: {  	[sflag:s0] =	ssyncadd.tile.s32 @!p0 $0x1;
	_ =	shalt  }
.Lfunc_end2:
_tile_overlayer_lowered:
.L_overlay_start_2:
0x25: {  	(tag) =	ssettag $0x2  }
0x26: {  	s0 =	rddreg [dreg:$0x0];
	s2 =	stileid.u32  }
0x27: {  	s1 =	rddreg [dreg:$0x1];
	p0 =	sne.s32 s2, $0x0  }
0x28: {  	s3 =	rddreg [dreg:$0x2];
	[bflag:$0x3] =	sbarrier.arrive $0xFFFF;
	s2 =	simm.s32 @!p0 $0x1C02  }
0x29: {  	[timem:s3], [sflag:s2] =	dma.local @!p0 [hbm:s0], s1  }
0x2a: {  	s0 =	simm.s32 @!p0 $0x2  }
0x2b: {  	_ =	swait.ge @!p0 [sflag:s0], s1  }
0x2c: {  	s1 =	ssub.s32 @!p0 $0x0, s1;
	[sflag:s0] =	ssyncset.done @!p0 $0x0  }
0x2d: {  	[sflag:s0] =	ssyncadd.s32 @!p0 s1  }
0x2e: {  	[bflag:$0x3] =	sbarrier.arrive $0xFFFF  }
0x2f: {  	_ =	shalt  }

</sc_bundles>
